<compile_context>
chip_gen: v7x
topology: tpu7x:2x2x1
jax: 0.10.2.dev20260603
libtpu: 0.0.44.dev20260713+nightly
codegen_flags: <defaults>
</compile_context>

<pallas_src>
import functools

import jax
import jax.numpy as jnp
from jax import lax
from jax.experimental import pallas as pl
from jax.experimental.pallas import tpu as pltpu
from jax.experimental.pallas import tpu_sc as plsc

_PAIR_LIST = [
    (0, 12345), (1, 987654), (2, 555555), (0, 42), (2, 999999), (1, 31337),
    (0, 777777), (1, 0), (2, 123456), (0, 654321), (1, 222222), (2, 888888),
    (0, 333333), (1, 444444), (2, 55555), (0, 99999), (1, 666666), (2, 7),
    (0, 500000), (1, 123), (2, 345678), (0, 876543), (1, 999998), (2, 111111),
    (0, 1), (1, 750000), (2, 250000), (0, 424242), (1, 313131), (2, 202020),
    (0, 909090), (1, 818181),
]

_LANES = 16
_N_OUT = len(_PAIR_LIST)


def _build_static_indices():
    ords = {l: sorted({o for ll, o in _PAIR_LIST if ll == l}) for l in (0, 1, 2)}
    gather_lists = []
    for l in (0, 1, 2):
        g = list(ords[l]) + [0] * (_LANES - len(ords[l]))
        gather_lists.append(g)
    flat_perm = [_LANES * l + ords[l].index(o) for l, o in _PAIR_LIST]
    return gather_lists, flat_perm


_GATHER_ORDS, _FLAT_PERM = _build_static_indices()


def _const_vec(vals):
    lanes = lax.iota(jnp.int32, _LANES)
    x = jnp.full((_LANES,), vals[0], dtype=jnp.int32)
    for j in range(1, _LANES):
        if vals[j] != vals[0]:
            x = jnp.where(lanes == j, jnp.int32(vals[j]), x)
    return x


def _sc_gather_body(t0, t1, t2, out_h, buf_v, out_v, sem):
    cid = lax.axis_index("c")
    sid = lax.axis_index("s")

    @pl.when(jnp.logical_and(cid == 0, sid == 0))
    def _():
        tables = (t0, t1, t2)
        gathers = []
        for l in range(3):
            gathers.append(pltpu.async_copy(
                tables[l].at[_const_vec(_GATHER_ORDS[l])],
                buf_v.at[pl.ds(l * _LANES, _LANES)], sem))
        for c in gathers:
            c.wait()
        for g in range(_N_OUT // _LANES):
            fp = _const_vec(_FLAT_PERM[g * _LANES:(g + 1) * _LANES])
            out_v[pl.ds(g * _LANES, _LANES)] = plsc.load_gather(buf_v, [fp])
        pltpu.sync_copy(out_v, out_h)


@functools.cache
def _sc_gather():
    mesh = plsc.VectorSubcoreMesh(
        core_axis_name="c", subcore_axis_name="s", num_cores=1)
    return pl.kernel(
        _sc_gather_body,
        out_type=jax.ShapeDtypeStruct((_N_OUT,), jnp.float32),
        mesh=mesh,
        compiler_params=pltpu.CompilerParams(
            needs_layout_passes=False, use_tc_tiling_on_sc=False,
            disable_bounds_checks=True, disable_semaphore_checks=True,
            skip_device_barrier=True),
        scratch_types=[
            pltpu.VMEM((3 * _LANES,), jnp.float32),
            pltpu.VMEM((_N_OUT,), jnp.float32),
            pltpu.SemaphoreType.DMA,
        ],
    )


def kernel(layer_values_0, layer_values_1, layer_values_2):
    return _sc_gather()(layer_values_0, layer_values_1, layer_values_2)

# --- scband reference (transcript-rebuilt; emitter-appended) ---
"""Pipeline reference for scband-gather-module-30605936951442 (READ-ONLY COPY).

The authoritative reference and input builder live on the scoring server;
editing this copy changes nothing except your own understanding.
"""

import jax, jax.numpy as jnp
import numpy as np

PAIRS = [(0,12345),(1,987654),(2,555555),(0,42),(2,999999),(1,31337),(0,777777),(1,0),(2,123456),(0,654321),(1,222222),(2,888888),(0,333333),(1,444444),(2,55555),(0,99999),(1,666666),(2,7),(0,500000),(1,123),(2,345678),(0,876543),(1,999998),(2,111111),(0,1),(1,750000),(2,250000),(0,424242),(1,313131),(2,202020),(0,909090),(1,818181)]

def _build():
    layers = sorted(set(l for l, _ in PAIRS), reverse=True)
    layers_map = {l: i for i, l in enumerate(layers)}
    per_layer_ordinals = {layer: sorted(set(o for l, o in PAIRS if l == layer)) for layer in layers}
    layer_sizes = [len(per_layer_ordinals[layer]) for layer in layers]
    layer_prefixes = np.concatenate([[0], np.cumsum(layer_sizes)[:-1]])
    per_layer_map = {l: {o: i for i, o in enumerate(per_layer_ordinals[l])} for l in layers}
    concatenated = [int(layer_prefixes[layers_map[l]] + per_layer_map[l][o]) for l, o in PAIRS]
    per_layer_ord_arrays = {l: jnp.asarray(per_layer_ordinals[l], dtype=jnp.int32) for l in layers}
    return layers, per_layer_ord_arrays, jnp.asarray(concatenated, dtype=jnp.int32)

LAYERS, PER_LAYER_ORD, CONCAT_ORD = _build()

def setup_inputs(seed: int = 0) -> dict:
    key = jax.random.key(seed)
    k0, k1, k2 = jax.random.split(key, 3)
    return {
        "layer_values_0": jax.random.normal(k0, (1000000,), dtype=jnp.float32),
        "layer_values_1": jax.random.normal(k1, (1000000,), dtype=jnp.float32),
        "layer_values_2": jax.random.normal(k2, (1000000,), dtype=jnp.float32),
    }

def reference(layer_values_0, layer_values_1, layer_values_2):
    layer_values = {0: layer_values_0, 1: layer_values_1, 2: layer_values_2}
    parts = [jnp.take(layer_values[l], PER_LAYER_ORD[l], axis=0) for l in LAYERS]
    layer_inputs_needed = jnp.concatenate(parts)
    out = jnp.take(layer_inputs_needed, CONCAT_ORD, axis=0)
    return out

if __name__ == "__main__":
    import jax
    _d = setup_inputs()
    print(jax.jit(kernel)(*tuple(_d.values())))

</pallas_src>

<mosaic_0001>
#map = affine_map<(d0, d1) -> (0)>
module attributes {stable_mosaic.version = 14 : i64} {
  func.func @_sc_gather_body(%arg0: i32, %arg1: i32, %arg2: memref<1000000xf32, #tpu.memory_space<hbm>>, %arg3: memref<1000000xf32, #tpu.memory_space<hbm>>, %arg4: memref<1000000xf32, #tpu.memory_space<hbm>>, %arg5: memref<32xf32, #tpu.memory_space<hbm>>, %arg6: memref<48xf32, #tpu.memory_space<vmem>>, %arg7: memref<32xf32, #tpu.memory_space<vmem>>, %arg8: memref<!tpu.dma_semaphore, #tpu.memory_space<semaphore_mem>>) attributes {dimension_semantics = [#tpu.dimension_semantics<core_parallel>, #tpu.dimension_semantics<subcore_parallel>], iteration_bounds = array<i64: 1, 16>, scalar_prefetch = 0 : i64, scratch_operands = 3 : i64, tpu.core_type = #tpu.core_type<sc_vector_subcore>, window_params = [{transform_indices = #map}, {transform_indices = #map}, {transform_indices = #map}, {transform_indices = #map}]} {
    %eq3A = arith.constant 0 : i32
    %eq3A_0 = arith.cmpi eq, %arg0, %eq3A : i32
    %eq3A_1 = arith.constant 0 : i32
    %eq3A_2 = arith.cmpi eq, %arg1, %eq3A_1 : i32
    %and3A = arith.andi %eq3A_0, %eq3A_2 : i1
    %convert_element_type3A = arith.extui %and3A : i1 to i32
    %cond3A = arith.constant 0 : i32
    %cond3A_3 = arith.cmpi ne, %convert_element_type3A, %cond3A : i32
    scf.if %cond3A_3 {
      %iota3A = tpu.iota {dimensions = array<i32: 0>} : vector<16xi32>
      %broadcast_in_dim3A = arith.constant 1 : i32
      %broadcast_in_dim3A_4 = vector.broadcast %broadcast_in_dim3A : i32 to vector<16xi32>
      %eq3A_5 = arith.constant 1 : i32
      %eq3A_6 = vector.broadcast %eq3A_5 : i32 to vector<16xi32>
      %eq3A_7 = arith.cmpi eq, %iota3A, %eq3A_6 : vector<16xi32>
      %jit3A = arith.constant 42 : i32
      %broadcast_in_dim3A_8 = vector.broadcast %jit3A : i32 to vector<16xi32>
      %select_n3A = arith.select %eq3A_7, %broadcast_in_dim3A_8, %broadcast_in_dim3A_4 : vector<16xi1>, vector<16xi32>
      %eq3A_9 = arith.constant 2 : i32
      %eq3A_10 = vector.broadcast %eq3A_9 : i32 to vector<16xi32>
      %eq3A_11 = arith.cmpi eq, %iota3A, %eq3A_10 : vector<16xi32>
      %jit3A_12 = arith.constant 12345 : i32
      %broadcast_in_dim3A_13 = vector.broadcast %jit3A_12 : i32 to vector<16xi32>
      %select_n3A_14 = arith.select %eq3A_11, %broadcast_in_dim3A_13, %select_n3A : vector<16xi1>, vector<16xi32>
      %eq3A_15 = arith.constant 3 : i32
      %eq3A_16 = vector.broadcast %eq3A_15 : i32 to vector<16xi32>
      %eq3A_17 = arith.cmpi eq, %iota3A, %eq3A_16 : vector<16xi32>
      %jit3A_18 = arith.constant 99999 : i32
      %broadcast_in_dim3A_19 = vector.broadcast %jit3A_18 : i32 to vector<16xi32>
      %select_n3A_20 = arith.select %eq3A_17, %broadcast_in_dim3A_19, %select_n3A_14 : vector<16xi1>, vector<16xi32>
      %eq3A_21 = arith.constant 4 : i32
      %eq3A_22 = vector.broadcast %eq3A_21 : i32 to vector<16xi32>
      %eq3A_23 = arith.cmpi eq, %iota3A, %eq3A_22 : vector<16xi32>
      %jit3A_24 = arith.constant 333333 : i32
      %broadcast_in_dim3A_25 = vector.broadcast %jit3A_24 : i32 to vector<16xi32>
      %select_n3A_26 = arith.select %eq3A_23, %broadcast_in_dim3A_25, %select_n3A_20 : vector<16xi1>, vector<16xi32>
      %eq3A_27 = arith.constant 5 : i32
      %eq3A_28 = vector.broadcast %eq3A_27 : i32 to vector<16xi32>
      %eq3A_29 = arith.cmpi eq, %iota3A, %eq3A_28 : vector<16xi32>
      %jit3A_30 = arith.constant 424242 : i32
      %broadcast_in_dim3A_31 = vector.broadcast %jit3A_30 : i32 to vector<16xi32>
      %select_n3A_32 = arith.select %eq3A_29, %broadcast_in_dim3A_31, %select_n3A_26 : vector<16xi1>, vector<16xi32>
      %eq3A_33 = arith.constant 6 : i32
      %eq3A_34 = vector.broadcast %eq3A_33 : i32 to vector<16xi32>
      %eq3A_35 = arith.cmpi eq, %iota3A, %eq3A_34 : vector<16xi32>
      %jit3A_36 = arith.constant 500000 : i32
      %broadcast_in_dim3A_37 = vector.broadcast %jit3A_36 : i32 to vector<16xi32>
      %select_n3A_38 = arith.select %eq3A_35, %broadcast_in_dim3A_37, %select_n3A_32 : vector<16xi1>, vector<16xi32>
      %eq3A_39 = arith.constant 7 : i32
      %eq3A_40 = vector.broadcast %eq3A_39 : i32 to vector<16xi32>
      %eq3A_41 = arith.cmpi eq, %iota3A, %eq3A_40 : vector<16xi32>
      %jit3A_42 = arith.constant 654321 : i32
      %broadcast_in_dim3A_43 = vector.broadcast %jit3A_42 : i32 to vector<16xi32>
      %select_n3A_44 = arith.select %eq3A_41, %broadcast_in_dim3A_43, %select_n3A_38 : vector<16xi1>, vector<16xi32>
      %eq3A_45 = arith.constant 8 : i32
      %eq3A_46 = vector.broadcast %eq3A_45 : i32 to vector<16xi32>
      %eq3A_47 = arith.cmpi eq, %iota3A, %eq3A_46 : vector<16xi32>
      %jit3A_48 = arith.constant 777777 : i32
      %broadcast_in_dim3A_49 = vector.broadcast %jit3A_48 : i32 to vector<16xi32>
      %select_n3A_50 = arith.select %eq3A_47, %broadcast_in_dim3A_49, %select_n3A_44 : vector<16xi1>, vector<16xi32>
      %eq3A_51 = arith.constant 9 : i32
      %eq3A_52 = vector.broadcast %eq3A_51 : i32 to vector<16xi32>
      %eq3A_53 = arith.cmpi eq, %iota3A, %eq3A_52 : vector<16xi32>
      %jit3A_54 = arith.constant 876543 : i32
      %broadcast_in_dim3A_55 = vector.broadcast %jit3A_54 : i32 to vector<16xi32>
      %select_n3A_56 = arith.select %eq3A_53, %broadcast_in_dim3A_55, %select_n3A_50 : vector<16xi1>, vector<16xi32>
      %eq3A_57 = arith.constant 10 : i32
      %eq3A_58 = vector.broadcast %eq3A_57 : i32 to vector<16xi32>
      %eq3A_59 = arith.cmpi eq, %iota3A, %eq3A_58 : vector<16xi32>
      %jit3A_60 = arith.constant 909090 : i32
      %broadcast_in_dim3A_61 = vector.broadcast %jit3A_60 : i32 to vector<16xi32>
      %select_n3A_62 = arith.select %eq3A_59, %broadcast_in_dim3A_61, %select_n3A_56 : vector<16xi1>, vector<16xi32>
      %eq3A_63 = arith.constant 11 : i32
      %eq3A_64 = vector.broadcast %eq3A_63 : i32 to vector<16xi32>
      %eq3A_65 = arith.cmpi eq, %iota3A, %eq3A_64 : vector<16xi32>
      %jit3A_66 = arith.constant 0 : i32
      %broadcast_in_dim3A_67 = vector.broadcast %jit3A_66 : i32 to vector<16xi32>
      %select_n3A_68 = arith.select %eq3A_65, %broadcast_in_dim3A_67, %select_n3A_62 : vector<16xi1>, vector<16xi32>
      %eq3A_69 = arith.constant 12 : i32
      %eq3A_70 = vector.broadcast %eq3A_69 : i32 to vector<16xi32>
      %eq3A_71 = arith.cmpi eq, %iota3A, %eq3A_70 : vector<16xi32>
      %jit3A_72 = arith.constant 0 : i32
      %broadcast_in_dim3A_73 = vector.broadcast %jit3A_72 : i32 to vector<16xi32>
      %select_n3A_74 = arith.select %eq3A_71, %broadcast_in_dim3A_73, %select_n3A_68 : vector<16xi1>, vector<16xi32>
      %eq3A_75 = arith.constant 13 : i32
      %eq3A_76 = vector.broadcast %eq3A_75 : i32 to vector<16xi32>
      %eq3A_77 = arith.cmpi eq, %iota3A, %eq3A_76 : vector<16xi32>
      %jit3A_78 = arith.constant 0 : i32
      %broadcast_in_dim3A_79 = vector.broadcast %jit3A_78 : i32 to vector<16xi32>
      %select_n3A_80 = arith.select %eq3A_77, %broadcast_in_dim3A_79, %select_n3A_74 : vector<16xi1>, vector<16xi32>
      %eq3A_81 = arith.constant 14 : i32
      %eq3A_82 = vector.broadcast %eq3A_81 : i32 to vector<16xi32>
      %eq3A_83 = arith.cmpi eq, %iota3A, %eq3A_82 : vector<16xi32>
      %jit3A_84 = arith.constant 0 : i32
      %broadcast_in_dim3A_85 = vector.broadcast %jit3A_84 : i32 to vector<16xi32>
      %select_n3A_86 = arith.select %eq3A_83, %broadcast_in_dim3A_85, %select_n3A_80 : vector<16xi1>, vector<16xi32>
      %eq3A_87 = arith.constant 15 : i32
      %eq3A_88 = vector.broadcast %eq3A_87 : i32 to vector<16xi32>
      %eq3A_89 = arith.cmpi eq, %iota3A, %eq3A_88 : vector<16xi32>
      %jit3A_90 = arith.constant 0 : i32
      %broadcast_in_dim3A_91 = vector.broadcast %jit3A_90 : i32 to vector<16xi32>
      %select_n3A_92 = arith.select %eq3A_89, %broadcast_in_dim3A_91, %select_n3A_86 : vector<16xi1>, vector<16xi32>
      %dma_start3A = arith.constant 0 : i32
      %dma_start3A_93 = tpu.memref_slice %arg6[%dma_start3A] : memref<48xf32, #tpu.memory_space<vmem>> -> memref<16xf32, #tpu.memory_space<vmem>>
      %dma_start3A_94 = arith.constant 0 : i32
      %dma_start3A_95 = tpu.memref_slice %arg2[%dma_start3A_94] : memref<1000000xf32, #tpu.memory_space<hbm>> -> memref<1000000xf32, #tpu.memory_space<hbm>>
      tpu.enqueue_indirect_dma source(%dma_start3A_95 : memref<1000000xf32, #tpu.memory_space<hbm>>) target(%dma_start3A_93 : memref<16xf32, #tpu.memory_space<vmem>>) offsets(%select_n3A_92 : vector<16xi32>) semaphore(%arg8 : memref<!tpu.dma_semaphore, #tpu.memory_space<semaphore_mem>>)
      %iota3A_96 = tpu.iota {dimensions = array<i32: 0>} : vector<16xi32>
      %broadcast_in_dim3A_97 = arith.constant 0 : i32
      %broadcast_in_dim3A_98 = vector.broadcast %broadcast_in_dim3A_97 : i32 to vector<16xi32>
      %eq3A_99 = arith.constant 1 : i32
      %eq3A_100 = vector.broadcast %eq3A_99 : i32 to vector<16xi32>
      %eq3A_101 = arith.cmpi eq, %iota3A_96, %eq3A_100 : vector<16xi32>
      %jit3A_102 = arith.constant 123 : i32
      %broadcast_in_dim3A_103 = vector.broadcast %jit3A_102 : i32 to vector<16xi32>
      %select_n3A_104 = arith.select %eq3A_101, %broadcast_in_dim3A_103, %broadcast_in_dim3A_98 : vector<16xi1>, vector<16xi32>
      %eq3A_105 = arith.constant 2 : i32
      %eq3A_106 = vector.broadcast %eq3A_105 : i32 to vector<16xi32>
      %eq3A_107 = arith.cmpi eq, %iota3A_96, %eq3A_106 : vector<16xi32>
      %jit3A_108 = arith.constant 31337 : i32
      %broadcast_in_dim3A_109 = vector.broadcast %jit3A_108 : i32 to vector<16xi32>
      %select_n3A_110 = arith.select %eq3A_107, %broadcast_in_dim3A_109, %select_n3A_104 : vector<16xi1>, vector<16xi32>
      %eq3A_111 = arith.constant 3 : i32
      %eq3A_112 = vector.broadcast %eq3A_111 : i32 to vector<16xi32>
      %eq3A_113 = arith.cmpi eq, %iota3A_96, %eq3A_112 : vector<16xi32>
      %jit3A_114 = arith.constant 222222 : i32
      %broadcast_in_dim3A_115 = vector.broadcast %jit3A_114 : i32 to vector<16xi32>
      %select_n3A_116 = arith.select %eq3A_113, %broadcast_in_dim3A_115, %select_n3A_110 : vector<16xi1>, vector<16xi32>
      %eq3A_117 = arith.constant 4 : i32
      %eq3A_118 = vector.broadcast %eq3A_117 : i32 to vector<16xi32>
      %eq3A_119 = arith.cmpi eq, %iota3A_96, %eq3A_118 : vector<16xi32>
      %jit3A_120 = arith.constant 313131 : i32
      %broadcast_in_dim3A_121 = vector.broadcast %jit3A_120 : i32 to vector<16xi32>
      %select_n3A_122 = arith.select %eq3A_119, %broadcast_in_dim3A_121, %select_n3A_116 : vector<16xi1>, vector<16xi32>
      %eq3A_123 = arith.constant 5 : i32
      %eq3A_124 = vector.broadcast %eq3A_123 : i32 to vector<16xi32>
      %eq3A_125 = arith.cmpi eq, %iota3A_96, %eq3A_124 : vector<16xi32>
      %jit3A_126 = arith.constant 444444 : i32
      %broadcast_in_dim3A_127 = vector.broadcast %jit3A_126 : i32 to vector<16xi32>
      %select_n3A_128 = arith.select %eq3A_125, %broadcast_in_dim3A_127, %select_n3A_122 : vector<16xi1>, vector<16xi32>
      %eq3A_129 = arith.constant 6 : i32
      %eq3A_130 = vector.broadcast %eq3A_129 : i32 to vector<16xi32>
      %eq3A_131 = arith.cmpi eq, %iota3A_96, %eq3A_130 : vector<16xi32>
      %jit3A_132 = arith.constant 666666 : i32
      %broadcast_in_dim3A_133 = vector.broadcast %jit3A_132 : i32 to vector<16xi32>
      %select_n3A_134 = arith.select %eq3A_131, %broadcast_in_dim3A_133, %select_n3A_128 : vector<16xi1>, vector<16xi32>
      %eq3A_135 = arith.constant 7 : i32
      %eq3A_136 = vector.broadcast %eq3A_135 : i32 to vector<16xi32>
      %eq3A_137 = arith.cmpi eq, %iota3A_96, %eq3A_136 : vector<16xi32>
      %jit3A_138 = arith.constant 750000 : i32
      %broadcast_in_dim3A_139 = vector.broadcast %jit3A_138 : i32 to vector<16xi32>
      %select_n3A_140 = arith.select %eq3A_137, %broadcast_in_dim3A_139, %select_n3A_134 : vector<16xi1>, vector<16xi32>
      %eq3A_141 = arith.constant 8 : i32
      %eq3A_142 = vector.broadcast %eq3A_141 : i32 to vector<16xi32>
      %eq3A_143 = arith.cmpi eq, %iota3A_96, %eq3A_142 : vector<16xi32>
      %jit3A_144 = arith.constant 818181 : i32
      %broadcast_in_dim3A_145 = vector.broadcast %jit3A_144 : i32 to vector<16xi32>
      %select_n3A_146 = arith.select %eq3A_143, %broadcast_in_dim3A_145, %select_n3A_140 : vector<16xi1>, vector<16xi32>
      %eq3A_147 = arith.constant 9 : i32
      %eq3A_148 = vector.broadcast %eq3A_147 : i32 to vector<16xi32>
      %eq3A_149 = arith.cmpi eq, %iota3A_96, %eq3A_148 : vector<16xi32>
      %jit3A_150 = arith.constant 987654 : i32
      %broadcast_in_dim3A_151 = vector.broadcast %jit3A_150 : i32 to vector<16xi32>
      %select_n3A_152 = arith.select %eq3A_149, %broadcast_in_dim3A_151, %select_n3A_146 : vector<16xi1>, vector<16xi32>
      %eq3A_153 = arith.constant 10 : i32
      %eq3A_154 = vector.broadcast %eq3A_153 : i32 to vector<16xi32>
      %eq3A_155 = arith.cmpi eq, %iota3A_96, %eq3A_154 : vector<16xi32>
      %jit3A_156 = arith.constant 999998 : i32
      %broadcast_in_dim3A_157 = vector.broadcast %jit3A_156 : i32 to vector<16xi32>
      %select_n3A_158 = arith.select %eq3A_155, %broadcast_in_dim3A_157, %select_n3A_152 : vector<16xi1>, vector<16xi32>
      %dma_start3A_159 = arith.constant 16 : i32
      %dma_start3A_160 = tpu.memref_slice %arg6[%dma_start3A_159] : memref<48xf32, #tpu.memory_space<vmem>> -> memref<16xf32, #tpu.memory_space<vmem>>
      %dma_start3A_161 = arith.constant 0 : i32
      %dma_start3A_162 = tpu.memref_slice %arg3[%dma_start3A_161] : memref<1000000xf32, #tpu.memory_space<hbm>> -> memref<1000000xf32, #tpu.memory_space<hbm>>
      tpu.enqueue_indirect_dma source(%dma_start3A_162 : memref<1000000xf32, #tpu.memory_space<hbm>>) target(%dma_start3A_160 : memref<16xf32, #tpu.memory_space<vmem>>) offsets(%select_n3A_158 : vector<16xi32>) semaphore(%arg8 : memref<!tpu.dma_semaphore, #tpu.memory_space<semaphore_mem>>)
      %iota3A_163 = tpu.iota {dimensions = array<i32: 0>} : vector<16xi32>
      %broadcast_in_dim3A_164 = arith.constant 7 : i32
      %broadcast_in_dim3A_165 = vector.broadcast %broadcast_in_dim3A_164 : i32 to vector<16xi32>
      %eq3A_166 = arith.constant 1 : i32
      %eq3A_167 = vector.broadcast %eq3A_166 : i32 to vector<16xi32>
      %eq3A_168 = arith.cmpi eq, %iota3A_163, %eq3A_167 : vector<16xi32>
      %jit3A_169 = arith.constant 55555 : i32
      %broadcast_in_dim3A_170 = vector.broadcast %jit3A_169 : i32 to vector<16xi32>
      %select_n3A_171 = arith.select %eq3A_168, %broadcast_in_dim3A_170, %broadcast_in_dim3A_165 : vector<16xi1>, vector<16xi32>
      %eq3A_172 = arith.constant 2 : i32
      %eq3A_173 = vector.broadcast %eq3A_172 : i32 to vector<16xi32>
      %eq3A_174 = arith.cmpi eq, %iota3A_163, %eq3A_173 : vector<16xi32>
      %jit3A_175 = arith.constant 111111 : i32
      %broadcast_in_dim3A_176 = vector.broadcast %jit3A_175 : i32 to vector<16xi32>
      %select_n3A_177 = arith.select %eq3A_174, %broadcast_in_dim3A_176, %select_n3A_171 : vector<16xi1>, vector<16xi32>
      %eq3A_178 = arith.constant 3 : i32
      %eq3A_179 = vector.broadcast %eq3A_178 : i32 to vector<16xi32>
      %eq3A_180 = arith.cmpi eq, %iota3A_163, %eq3A_179 : vector<16xi32>
      %jit3A_181 = arith.constant 123456 : i32
      %broadcast_in_dim3A_182 = vector.broadcast %jit3A_181 : i32 to vector<16xi32>
      %select_n3A_183 = arith.select %eq3A_180, %broadcast_in_dim3A_182, %select_n3A_177 : vector<16xi1>, vector<16xi32>
      %eq3A_184 = arith.constant 4 : i32
      %eq3A_185 = vector.broadcast %eq3A_184 : i32 to vector<16xi32>
      %eq3A_186 = arith.cmpi eq, %iota3A_163, %eq3A_185 : vector<16xi32>
      %jit3A_187 = arith.constant 202020 : i32
      %broadcast_in_dim3A_188 = vector.broadcast %jit3A_187 : i32 to vector<16xi32>
      %select_n3A_189 = arith.select %eq3A_186, %broadcast_in_dim3A_188, %select_n3A_183 : vector<16xi1>, vector<16xi32>
      %eq3A_190 = arith.constant 5 : i32
      %eq3A_191 = vector.broadcast %eq3A_190 : i32 to vector<16xi32>
      %eq3A_192 = arith.cmpi eq, %iota3A_163, %eq3A_191 : vector<16xi32>
      %jit3A_193 = arith.constant 250000 : i32
      %broadcast_in_dim3A_194 = vector.broadcast %jit3A_193 : i32 to vector<16xi32>
      %select_n3A_195 = arith.select %eq3A_192, %broadcast_in_dim3A_194, %select_n3A_189 : vector<16xi1>, vector<16xi32>
      %eq3A_196 = arith.constant 6 : i32
      %eq3A_197 = vector.broadcast %eq3A_196 : i32 to vector<16xi32>
      %eq3A_198 = arith.cmpi eq, %iota3A_163, %eq3A_197 : vector<16xi32>
      %jit3A_199 = arith.constant 345678 : i32
      %broadcast_in_dim3A_200 = vector.broadcast %jit3A_199 : i32 to vector<16xi32>
      %select_n3A_201 = arith.select %eq3A_198, %broadcast_in_dim3A_200, %select_n3A_195 : vector<16xi1>, vector<16xi32>
      %eq3A_202 = arith.constant 7 : i32
      %eq3A_203 = vector.broadcast %eq3A_202 : i32 to vector<16xi32>
      %eq3A_204 = arith.cmpi eq, %iota3A_163, %eq3A_203 : vector<16xi32>
      %jit3A_205 = arith.constant 555555 : i32
      %broadcast_in_dim3A_206 = vector.broadcast %jit3A_205 : i32 to vector<16xi32>
      %select_n3A_207 = arith.select %eq3A_204, %broadcast_in_dim3A_206, %select_n3A_201 : vector<16xi1>, vector<16xi32>
      %eq3A_208 = arith.constant 8 : i32
      %eq3A_209 = vector.broadcast %eq3A_208 : i32 to vector<16xi32>
      %eq3A_210 = arith.cmpi eq, %iota3A_163, %eq3A_209 : vector<16xi32>
      %jit3A_211 = arith.constant 888888 : i32
      %broadcast_in_dim3A_212 = vector.broadcast %jit3A_211 : i32 to vector<16xi32>
      %select_n3A_213 = arith.select %eq3A_210, %broadcast_in_dim3A_212, %select_n3A_207 : vector<16xi1>, vector<16xi32>
      %eq3A_214 = arith.constant 9 : i32
      %eq3A_215 = vector.broadcast %eq3A_214 : i32 to vector<16xi32>
      %eq3A_216 = arith.cmpi eq, %iota3A_163, %eq3A_215 : vector<16xi32>
      %jit3A_217 = arith.constant 999999 : i32
      %broadcast_in_dim3A_218 = vector.broadcast %jit3A_217 : i32 to vector<16xi32>
      %select_n3A_219 = arith.select %eq3A_216, %broadcast_in_dim3A_218, %select_n3A_213 : vector<16xi1>, vector<16xi32>
      %eq3A_220 = arith.constant 10 : i32
      %eq3A_221 = vector.broadcast %eq3A_220 : i32 to vector<16xi32>
      %eq3A_222 = arith.cmpi eq, %iota3A_163, %eq3A_221 : vector<16xi32>
      %jit3A_223 = arith.constant 0 : i32
      %broadcast_in_dim3A_224 = vector.broadcast %jit3A_223 : i32 to vector<16xi32>
      %select_n3A_225 = arith.select %eq3A_222, %broadcast_in_dim3A_224, %select_n3A_219 : vector<16xi1>, vector<16xi32>
      %eq3A_226 = arith.constant 11 : i32
      %eq3A_227 = vector.broadcast %eq3A_226 : i32 to vector<16xi32>
      %eq3A_228 = arith.cmpi eq, %iota3A_163, %eq3A_227 : vector<16xi32>
      %jit3A_229 = arith.constant 0 : i32
      %broadcast_in_dim3A_230 = vector.broadcast %jit3A_229 : i32 to vector<16xi32>
      %select_n3A_231 = arith.select %eq3A_228, %broadcast_in_dim3A_230, %select_n3A_225 : vector<16xi1>, vector<16xi32>
      %eq3A_232 = arith.constant 12 : i32
      %eq3A_233 = vector.broadcast %eq3A_232 : i32 to vector<16xi32>
      %eq3A_234 = arith.cmpi eq, %iota3A_163, %eq3A_233 : vector<16xi32>
      %jit3A_235 = arith.constant 0 : i32
      %broadcast_in_dim3A_236 = vector.broadcast %jit3A_235 : i32 to vector<16xi32>
      %select_n3A_237 = arith.select %eq3A_234, %broadcast_in_dim3A_236, %select_n3A_231 : vector<16xi1>, vector<16xi32>
      %eq3A_238 = arith.constant 13 : i32
      %eq3A_239 = vector.broadcast %eq3A_238 : i32 to vector<16xi32>
      %eq3A_240 = arith.cmpi eq, %iota3A_163, %eq3A_239 : vector<16xi32>
      %jit3A_241 = arith.constant 0 : i32
      %broadcast_in_dim3A_242 = vector.broadcast %jit3A_241 : i32 to vector<16xi32>
      %select_n3A_243 = arith.select %eq3A_240, %broadcast_in_dim3A_242, %select_n3A_237 : vector<16xi1>, vector<16xi32>
      %eq3A_244 = arith.constant 14 : i32
      %eq3A_245 = vector.broadcast %eq3A_244 : i32 to vector<16xi32>
      %eq3A_246 = arith.cmpi eq, %iota3A_163, %eq3A_245 : vector<16xi32>
      %jit3A_247 = arith.constant 0 : i32
      %broadcast_in_dim3A_248 = vector.broadcast %jit3A_247 : i32 to vector<16xi32>
      %select_n3A_249 = arith.select %eq3A_246, %broadcast_in_dim3A_248, %select_n3A_243 : vector<16xi1>, vector<16xi32>
      %eq3A_250 = arith.constant 15 : i32
      %eq3A_251 = vector.broadcast %eq3A_250 : i32 to vector<16xi32>
      %eq3A_252 = arith.cmpi eq, %iota3A_163, %eq3A_251 : vector<16xi32>
      %jit3A_253 = arith.constant 0 : i32
      %broadcast_in_dim3A_254 = vector.broadcast %jit3A_253 : i32 to vector<16xi32>
      %select_n3A_255 = arith.select %eq3A_252, %broadcast_in_dim3A_254, %select_n3A_249 : vector<16xi1>, vector<16xi32>
      %dma_start3A_256 = arith.constant 32 : i32
      %dma_start3A_257 = tpu.memref_slice %arg6[%dma_start3A_256] : memref<48xf32, #tpu.memory_space<vmem>> -> memref<16xf32, #tpu.memory_space<vmem>>
      %dma_start3A_258 = arith.constant 0 : i32
      %dma_start3A_259 = tpu.memref_slice %arg4[%dma_start3A_258] : memref<1000000xf32, #tpu.memory_space<hbm>> -> memref<1000000xf32, #tpu.memory_space<hbm>>
      tpu.enqueue_indirect_dma source(%dma_start3A_259 : memref<1000000xf32, #tpu.memory_space<hbm>>) target(%dma_start3A_257 : memref<16xf32, #tpu.memory_space<vmem>>) offsets(%select_n3A_255 : vector<16xi32>) semaphore(%arg8 : memref<!tpu.dma_semaphore, #tpu.memory_space<semaphore_mem>>)
      %dma_wait3A = arith.constant 0 : i32
      %dma_wait3A_260 = tpu.memref_slice %arg6[%dma_wait3A] : memref<48xf32, #tpu.memory_space<vmem>> -> memref<16xf32, #tpu.memory_space<vmem>>
      %dma_wait3A_261 = arith.constant 0 : i32
      %dma_wait3A_262 = tpu.memref_slice %arg2[%dma_wait3A_261] : memref<1000000xf32, #tpu.memory_space<hbm>> -> memref<1000000xf32, #tpu.memory_space<hbm>>
      tpu.wait_indirect_dma semaphore(%arg8 : memref<!tpu.dma_semaphore, #tpu.memory_space<semaphore_mem>>) src(%dma_wait3A_262 : memref<1000000xf32, #tpu.memory_space<hbm>>) dst(%dma_wait3A_260 : memref<16xf32, #tpu.memory_space<vmem>>)
      %dma_wait3A_263 = arith.constant 16 : i32
      %dma_wait3A_264 = tpu.memref_slice %arg6[%dma_wait3A_263] : memref<48xf32, #tpu.memory_space<vmem>> -> memref<16xf32, #tpu.memory_space<vmem>>
      %dma_wait3A_265 = arith.constant 0 : i32
      %dma_wait3A_266 = tpu.memref_slice %arg3[%dma_wait3A_265] : memref<1000000xf32, #tpu.memory_space<hbm>> -> memref<1000000xf32, #tpu.memory_space<hbm>>
      tpu.wait_indirect_dma semaphore(%arg8 : memref<!tpu.dma_semaphore, #tpu.memory_space<semaphore_mem>>) src(%dma_wait3A_266 : memref<1000000xf32, #tpu.memory_space<hbm>>) dst(%dma_wait3A_264 : memref<16xf32, #tpu.memory_space<vmem>>)
      %dma_wait3A_267 = arith.constant 32 : i32
      %dma_wait3A_268 = tpu.memref_slice %arg6[%dma_wait3A_267] : memref<48xf32, #tpu.memory_space<vmem>> -> memref<16xf32, #tpu.memory_space<vmem>>
      %dma_wait3A_269 = arith.constant 0 : i32
      %dma_wait3A_270 = tpu.memref_slice %arg4[%dma_wait3A_269] : memref<1000000xf32, #tpu.memory_space<hbm>> -> memref<1000000xf32, #tpu.memory_space<hbm>>
      tpu.wait_indirect_dma semaphore(%arg8 : memref<!tpu.dma_semaphore, #tpu.memory_space<semaphore_mem>>) src(%dma_wait3A_270 : memref<1000000xf32, #tpu.memory_space<hbm>>) dst(%dma_wait3A_268 : memref<16xf32, #tpu.memory_space<vmem>>)
      %iota3A_271 = tpu.iota {dimensions = array<i32: 0>} : vector<16xi32>
      %broadcast_in_dim3A_272 = arith.constant 2 : i32
      %broadcast_in_dim3A_273 = vector.broadcast %broadcast_in_dim3A_272 : i32 to vector<16xi32>
      %eq3A_274 = arith.constant 1 : i32
      %eq3A_275 = vector.broadcast %eq3A_274 : i32 to vector<16xi32>
      %eq3A_276 = arith.cmpi eq, %iota3A_271, %eq3A_275 : vector<16xi32>
      %jit3A_277 = arith.constant 25 : i32
      %broadcast_in_dim3A_278 = vector.broadcast %jit3A_277 : i32 to vector<16xi32>
      %select_n3A_279 = arith.select %eq3A_276, %broadcast_in_dim3A_278, %broadcast_in_dim3A_273 : vector<16xi1>, vector<16xi32>
      %eq3A_280 = arith.constant 2 : i32
      %eq3A_281 = vector.broadcast %eq3A_280 : i32 to vector<16xi32>
      %eq3A_282 = arith.cmpi eq, %iota3A_271, %eq3A_281 : vector<16xi32>
      %jit3A_283 = arith.constant 39 : i32
      %broadcast_in_dim3A_284 = vector.broadcast %jit3A_283 : i32 to vector<16xi32>
      %select_n3A_285 = arith.select %eq3A_282, %broadcast_in_dim3A_284, %select_n3A_279 : vector<16xi1>, vector<16xi32>
      %eq3A_286 = arith.constant 3 : i32
      %eq3A_287 = vector.broadcast %eq3A_286 : i32 to vector<16xi32>
      %eq3A_288 = arith.cmpi eq, %iota3A_271, %eq3A_287 : vector<16xi32>
      %jit3A_289 = arith.constant 1 : i32
      %broadcast_in_dim3A_290 = vector.broadcast %jit3A_289 : i32 to vector<16xi32>
      %select_n3A_291 = arith.select %eq3A_288, %broadcast_in_dim3A_290, %select_n3A_285 : vector<16xi1>, vector<16xi32>
      %eq3A_292 = arith.constant 4 : i32
      %eq3A_293 = vector.broadcast %eq3A_292 : i32 to vector<16xi32>
      %eq3A_294 = arith.cmpi eq, %iota3A_271, %eq3A_293 : vector<16xi32>
      %jit3A_295 = arith.constant 41 : i32
      %broadcast_in_dim3A_296 = vector.broadcast %jit3A_295 : i32 to vector<16xi32>
      %select_n3A_297 = arith.select %eq3A_294, %broadcast_in_dim3A_296, %select_n3A_291 : vector<16xi1>, vector<16xi32>
      %eq3A_298 = arith.constant 5 : i32
      %eq3A_299 = vector.broadcast %eq3A_298 : i32 to vector<16xi32>
      %eq3A_300 = arith.cmpi eq, %iota3A_271, %eq3A_299 : vector<16xi32>
      %jit3A_301 = arith.constant 18 : i32
      %broadcast_in_dim3A_302 = vector.broadcast %jit3A_301 : i32 to vector<16xi32>
      %select_n3A_303 = arith.select %eq3A_300, %broadcast_in_dim3A_302, %select_n3A_297 : vector<16xi1>, vector<16xi32>
      %eq3A_304 = arith.constant 6 : i32
      %eq3A_305 = vector.broadcast %eq3A_304 : i32 to vector<16xi32>
      %eq3A_306 = arith.cmpi eq, %iota3A_271, %eq3A_305 : vector<16xi32>
      %jit3A_307 = arith.constant 8 : i32
      %broadcast_in_dim3A_308 = vector.broadcast %jit3A_307 : i32 to vector<16xi32>
      %select_n3A_309 = arith.select %eq3A_306, %broadcast_in_dim3A_308, %select_n3A_303 : vector<16xi1>, vector<16xi32>
      %eq3A_310 = arith.constant 7 : i32
      %eq3A_311 = vector.broadcast %eq3A_310 : i32 to vector<16xi32>
      %eq3A_312 = arith.cmpi eq, %iota3A_271, %eq3A_311 : vector<16xi32>
      %jit3A_313 = arith.constant 16 : i32
      %broadcast_in_dim3A_314 = vector.broadcast %jit3A_313 : i32 to vector<16xi32>
      %select_n3A_315 = arith.select %eq3A_312, %broadcast_in_dim3A_314, %select_n3A_309 : vector<16xi1>, vector<16xi32>
      %eq3A_316 = arith.constant 8 : i32
      %eq3A_317 = vector.broadcast %eq3A_316 : i32 to vector<16xi32>
      %eq3A_318 = arith.cmpi eq, %iota3A_271, %eq3A_317 : vector<16xi32>
      %jit3A_319 = arith.constant 35 : i32
      %broadcast_in_dim3A_320 = vector.broadcast %jit3A_319 : i32 to vector<16xi32>
      %select_n3A_321 = arith.select %eq3A_318, %broadcast_in_dim3A_320, %select_n3A_315 : vector<16xi1>, vector<16xi32>
      %eq3A_322 = arith.constant 9 : i32
      %eq3A_323 = vector.broadcast %eq3A_322 : i32 to vector<16xi32>
      %eq3A_324 = arith.cmpi eq, %iota3A_271, %eq3A_323 : vector<16xi32>
      %jit3A_325 = arith.constant 7 : i32
      %broadcast_in_dim3A_326 = vector.broadcast %jit3A_325 : i32 to vector<16xi32>
      %select_n3A_327 = arith.select %eq3A_324, %broadcast_in_dim3A_326, %select_n3A_321 : vector<16xi1>, vector<16xi32>
      %eq3A_328 = arith.constant 10 : i32
      %eq3A_329 = vector.broadcast %eq3A_328 : i32 to vector<16xi32>
      %eq3A_330 = arith.cmpi eq, %iota3A_271, %eq3A_329 : vector<16xi32>
      %jit3A_331 = arith.constant 19 : i32
      %broadcast_in_dim3A_332 = vector.broadcast %jit3A_331 : i32 to vector<16xi32>
      %select_n3A_333 = arith.select %eq3A_330, %broadcast_in_dim3A_332, %select_n3A_327 : vector<16xi1>, vector<16xi32>
      %eq3A_334 = arith.constant 11 : i32
      %eq3A_335 = vector.broadcast %eq3A_334 : i32 to vector<16xi32>
      %eq3A_336 = arith.cmpi eq, %iota3A_271, %eq3A_335 : vector<16xi32>
      %jit3A_337 = arith.constant 40 : i32
      %broadcast_in_dim3A_338 = vector.broadcast %jit3A_337 : i32 to vector<16xi32>
      %select_n3A_339 = arith.select %eq3A_336, %broadcast_in_dim3A_338, %select_n3A_333 : vector<16xi1>, vector<16xi32>
      %eq3A_340 = arith.constant 12 : i32
      %eq3A_341 = vector.broadcast %eq3A_340 : i32 to vector<16xi32>
      %eq3A_342 = arith.cmpi eq, %iota3A_271, %eq3A_341 : vector<16xi32>
      %jit3A_343 = arith.constant 4 : i32
      %broadcast_in_dim3A_344 = vector.broadcast %jit3A_343 : i32 to vector<16xi32>
      %select_n3A_345 = arith.select %eq3A_342, %broadcast_in_dim3A_344, %select_n3A_339 : vector<16xi1>, vector<16xi32>
      %eq3A_346 = arith.constant 13 : i32
      %eq3A_347 = vector.broadcast %eq3A_346 : i32 to vector<16xi32>
      %eq3A_348 = arith.cmpi eq, %iota3A_271, %eq3A_347 : vector<16xi32>
      %jit3A_349 = arith.constant 21 : i32
      %broadcast_in_dim3A_350 = vector.broadcast %jit3A_349 : i32 to vector<16xi32>
      %select_n3A_351 = arith.select %eq3A_348, %broadcast_in_dim3A_350, %select_n3A_345 : vector<16xi1>, vector<16xi32>
      %eq3A_352 = arith.constant 14 : i32
      %eq3A_353 = vector.broadcast %eq3A_352 : i32 to vector<16xi32>
      %eq3A_354 = arith.cmpi eq, %iota3A_271, %eq3A_353 : vector<16xi32>
      %jit3A_355 = arith.constant 33 : i32
      %broadcast_in_dim3A_356 = vector.broadcast %jit3A_355 : i32 to vector<16xi32>
      %select_n3A_357 = arith.select %eq3A_354, %broadcast_in_dim3A_356, %select_n3A_351 : vector<16xi1>, vector<16xi32>
      %eq3A_358 = arith.constant 15 : i32
      %eq3A_359 = vector.broadcast %eq3A_358 : i32 to vector<16xi32>
      %eq3A_360 = arith.cmpi eq, %iota3A_271, %eq3A_359 : vector<16xi32>
      %jit3A_361 = arith.constant 3 : i32
      %broadcast_in_dim3A_362 = vector.broadcast %jit3A_361 : i32 to vector<16xi32>
      %select_n3A_363 = arith.select %eq3A_360, %broadcast_in_dim3A_362, %select_n3A_357 : vector<16xi1>, vector<16xi32>
      %gather3A = tpu.vector_load_idx %arg6[%select_n3A_363] : memref<48xf32, #tpu.memory_space<vmem>>[vector<16xi32>], vector<16xf32>,
      %swap3A = arith.constant 0 : index
      %swap3A_364 = tpu.vector_load %arg7[%swap3A] {strides = array<i32>} : memref<32xf32, #tpu.memory_space<vmem>>, vector<16xf32>,
      tpu.vector_store %arg7[%swap3A], %gather3A {strides = array<i32>} : memref<32xf32, #tpu.memory_space<vmem>>, vector<16xf32>,
      %iota3A_365 = tpu.iota {dimensions = array<i32: 0>} : vector<16xi32>
      %broadcast_in_dim3A_366 = arith.constant 22 : i32
      %broadcast_in_dim3A_367 = vector.broadcast %broadcast_in_dim3A_366 : i32 to vector<16xi32>
      %eq3A_368 = arith.constant 1 : i32
      %eq3A_369 = vector.broadcast %eq3A_368 : i32 to vector<16xi32>
      %eq3A_370 = arith.cmpi eq, %iota3A_365, %eq3A_369 : vector<16xi32>
      %jit3A_371 = arith.constant 32 : i32
      %broadcast_in_dim3A_372 = vector.broadcast %jit3A_371 : i32 to vector<16xi32>
      %select_n3A_373 = arith.select %eq3A_370, %broadcast_in_dim3A_372, %broadcast_in_dim3A_367 : vector<16xi1>, vector<16xi32>
      %eq3A_374 = arith.constant 2 : i32
      %eq3A_375 = vector.broadcast %eq3A_374 : i32 to vector<16xi32>
      %eq3A_376 = arith.cmpi eq, %iota3A_365, %eq3A_375 : vector<16xi32>
      %jit3A_377 = arith.constant 6 : i32
      %broadcast_in_dim3A_378 = vector.broadcast %jit3A_377 : i32 to vector<16xi32>
      %select_n3A_379 = arith.select %eq3A_376, %broadcast_in_dim3A_378, %select_n3A_373 : vector<16xi1>, vector<16xi32>
      %eq3A_380 = arith.constant 3 : i32
      %eq3A_381 = vector.broadcast %eq3A_380 : i32 to vector<16xi32>
      %eq3A_382 = arith.cmpi eq, %iota3A_365, %eq3A_381 : vector<16xi32>
      %jit3A_383 = arith.constant 17 : i32
      %broadcast_in_dim3A_384 = vector.broadcast %jit3A_383 : i32 to vector<16xi32>
      %select_n3A_385 = arith.select %eq3A_382, %broadcast_in_dim3A_384, %select_n3A_379 : vector<16xi1>, vector<16xi32>
      %eq3A_386 = arith.constant 4 : i32
      %eq3A_387 = vector.broadcast %eq3A_386 : i32 to vector<16xi32>
      %eq3A_388 = arith.cmpi eq, %iota3A_365, %eq3A_387 : vector<16xi32>
      %jit3A_389 = arith.constant 38 : i32
      %broadcast_in_dim3A_390 = vector.broadcast %jit3A_389 : i32 to vector<16xi32>
      %select_n3A_391 = arith.select %eq3A_388, %broadcast_in_dim3A_390, %select_n3A_385 : vector<16xi1>, vector<16xi32>
      %eq3A_392 = arith.constant 5 : i32
      %eq3A_393 = vector.broadcast %eq3A_392 : i32 to vector<16xi32>
      %eq3A_394 = arith.cmpi eq, %iota3A_365, %eq3A_393 : vector<16xi32>
      %jit3A_395 = arith.constant 9 : i32
      %broadcast_in_dim3A_396 = vector.broadcast %jit3A_395 : i32 to vector<16xi32>
      %select_n3A_397 = arith.select %eq3A_394, %broadcast_in_dim3A_396, %select_n3A_391 : vector<16xi1>, vector<16xi32>
      %eq3A_398 = arith.constant 6 : i32
      %eq3A_399 = vector.broadcast %eq3A_398 : i32 to vector<16xi32>
      %eq3A_400 = arith.cmpi eq, %iota3A_365, %eq3A_399 : vector<16xi32>
      %jit3A_401 = arith.constant 26 : i32
      %broadcast_in_dim3A_402 = vector.broadcast %jit3A_401 : i32 to vector<16xi32>
      %select_n3A_403 = arith.select %eq3A_400, %broadcast_in_dim3A_402, %select_n3A_397 : vector<16xi1>, vector<16xi32>
      %eq3A_404 = arith.constant 7 : i32
      %eq3A_405 = vector.broadcast %eq3A_404 : i32 to vector<16xi32>
      %eq3A_406 = arith.cmpi eq, %iota3A_365, %eq3A_405 : vector<16xi32>
      %jit3A_407 = arith.constant 34 : i32
      %broadcast_in_dim3A_408 = vector.broadcast %jit3A_407 : i32 to vector<16xi32>
      %select_n3A_409 = arith.select %eq3A_406, %broadcast_in_dim3A_408, %select_n3A_403 : vector<16xi1>, vector<16xi32>
      %eq3A_410 = arith.constant 8 : i32
      %eq3A_411 = vector.broadcast %eq3A_410 : i32 to vector<16xi32>
      %eq3A_412 = arith.cmpi eq, %iota3A_365, %eq3A_411 : vector<16xi32>
      %jit3A_413 = arith.constant 0 : i32
      %broadcast_in_dim3A_414 = vector.broadcast %jit3A_413 : i32 to vector<16xi32>
      %select_n3A_415 = arith.select %eq3A_412, %broadcast_in_dim3A_414, %select_n3A_409 : vector<16xi1>, vector<16xi32>
      %eq3A_416 = arith.constant 9 : i32
      %eq3A_417 = vector.broadcast %eq3A_416 : i32 to vector<16xi32>
      %eq3A_418 = arith.cmpi eq, %iota3A_365, %eq3A_417 : vector<16xi32>
      %jit3A_419 = arith.constant 23 : i32
      %broadcast_in_dim3A_420 = vector.broadcast %jit3A_419 : i32 to vector<16xi32>
      %select_n3A_421 = arith.select %eq3A_418, %broadcast_in_dim3A_420, %select_n3A_415 : vector<16xi1>, vector<16xi32>
      %eq3A_422 = arith.constant 10 : i32
      %eq3A_423 = vector.broadcast %eq3A_422 : i32 to vector<16xi32>
      %eq3A_424 = arith.cmpi eq, %iota3A_365, %eq3A_423 : vector<16xi32>
      %jit3A_425 = arith.constant 37 : i32
      %broadcast_in_dim3A_426 = vector.broadcast %jit3A_425 : i32 to vector<16xi32>
      %select_n3A_427 = arith.select %eq3A_424, %broadcast_in_dim3A_426, %select_n3A_421 : vector<16xi1>, vector<16xi32>
      %eq3A_428 = arith.constant 11 : i32
      %eq3A_429 = vector.broadcast %eq3A_428 : i32 to vector<16xi32>
      %eq3A_430 = arith.cmpi eq, %iota3A_365, %eq3A_429 : vector<16xi32>
      %jit3A_431 = arith.constant 5 : i32
      %broadcast_in_dim3A_432 = vector.broadcast %jit3A_431 : i32 to vector<16xi32>
      %select_n3A_433 = arith.select %eq3A_430, %broadcast_in_dim3A_432, %select_n3A_427 : vector<16xi1>, vector<16xi32>
      %eq3A_434 = arith.constant 12 : i32
      %eq3A_435 = vector.broadcast %eq3A_434 : i32 to vector<16xi32>
      %eq3A_436 = arith.cmpi eq, %iota3A_365, %eq3A_435 : vector<16xi32>
      %jit3A_437 = arith.constant 20 : i32
      %broadcast_in_dim3A_438 = vector.broadcast %jit3A_437 : i32 to vector<16xi32>
      %select_n3A_439 = arith.select %eq3A_436, %broadcast_in_dim3A_438, %select_n3A_433 : vector<16xi1>, vector<16xi32>
      %eq3A_440 = arith.constant 13 : i32
      %eq3A_441 = vector.broadcast %eq3A_440 : i32 to vector<16xi32>
      %eq3A_442 = arith.cmpi eq, %iota3A_365, %eq3A_441 : vector<16xi32>
      %jit3A_443 = arith.constant 36 : i32
      %broadcast_in_dim3A_444 = vector.broadcast %jit3A_443 : i32 to vector<16xi32>
      %select_n3A_445 = arith.select %eq3A_442, %broadcast_in_dim3A_444, %select_n3A_439 : vector<16xi1>, vector<16xi32>
      %eq3A_446 = arith.constant 14 : i32
      %eq3A_447 = vector.broadcast %eq3A_446 : i32 to vector<16xi32>
      %eq3A_448 = arith.cmpi eq, %iota3A_365, %eq3A_447 : vector<16xi32>
      %jit3A_449 = arith.constant 10 : i32
      %broadcast_in_dim3A_450 = vector.broadcast %jit3A_449 : i32 to vector<16xi32>
      %select_n3A_451 = arith.select %eq3A_448, %broadcast_in_dim3A_450, %select_n3A_445 : vector<16xi1>, vector<16xi32>
      %eq3A_452 = arith.constant 15 : i32
      %eq3A_453 = vector.broadcast %eq3A_452 : i32 to vector<16xi32>
      %eq3A_454 = arith.cmpi eq, %iota3A_365, %eq3A_453 : vector<16xi32>
      %jit3A_455 = arith.constant 24 : i32
      %broadcast_in_dim3A_456 = vector.broadcast %jit3A_455 : i32 to vector<16xi32>
      %select_n3A_457 = arith.select %eq3A_454, %broadcast_in_dim3A_456, %select_n3A_451 : vector<16xi1>, vector<16xi32>
      %gather3A_458 = tpu.vector_load_idx %arg6[%select_n3A_457] : memref<48xf32, #tpu.memory_space<vmem>>[vector<16xi32>], vector<16xf32>,
      %swap3A_459 = arith.constant 16 : index
      %swap3A_460 = tpu.vector_load %arg7[%swap3A_459] {strides = array<i32>} : memref<32xf32, #tpu.memory_space<vmem>>, vector<16xf32>,
      tpu.vector_store %arg7[%swap3A_459], %gather3A_458 {strides = array<i32>} : memref<32xf32, #tpu.memory_space<vmem>>, vector<16xf32>,
      "tpu.region"() ({
        %run_scoped3A = tpu.sem_alloc : memref<!tpu.dma_semaphore, #tpu.memory_space<semaphore_mem>>
        tpu.enqueue_dma source(%arg7 : memref<32xf32, #tpu.memory_space<vmem>>) target(%arg5 : memref<32xf32, #tpu.memory_space<hbm>>) target_semaphore(%run_scoped3A : memref<!tpu.dma_semaphore, #tpu.memory_space<semaphore_mem>>)
        tpu.wait_dma2 semaphore(%run_scoped3A : memref<!tpu.dma_semaphore, #tpu.memory_space<semaphore_mem>>) src(%arg7 : memref<32xf32, #tpu.memory_space<vmem>>) dst(%arg5 : memref<32xf32, #tpu.memory_space<hbm>>)
        tpu.yield
      }) : () -> ()
    } else {
    }
    return
  }
}

</mosaic_0001>

<sc_bundles>
// kernel: kernel.3.cloned.1.call-start
scs
__scs_entry_jumppad:
0x0: {  	(pc) =	sbr.rel $0x88, $3  }
0x1: {  	(tag) =	ssettag $0x0;
	lr =	simm.s32 $0x1  }
0x2: {  	[smem:$0x3F9E] =	sst lr;
	_ =	strace $0xD0000000  }
0x3: {  	_ = 	snop  }
0x4: {  	_ = 	snop  }
0x5: {  	_ = 	snop  }
0x6: {  	_ = 	snop  }
0x7: {  	_ = 	snop  }
__scs_overlays_trampoline_lowered:
0x8: {  	[smem:$0x3FAD] =	sst s0  }
0x9: {  	[smem:$0x3FAE] =	sst s1  }
0xa: {  	[smem:$0x3FAF] =	sst s2  }
0xb: {  	[smem:$0x3FB0] =	sst s3  }
0xc: {  	[smem:$0x3FB1] =	sst s4  }
0xd: {  	[smem:$0x3FB2] =	sst s5  }
0xe: {  	[smem:$0x3FB3] =	sst s6  }
0xf: {  	[smem:$0x3FB4] =	sst s7  }
0x10: {  	[smem:$0x3FB5] =	sst s8  }
0x11: {  	[smem:$0x3FB6] =	sst s9;
	s0 =	simm.s32 @!p0 $0x0  }
0x12: {  	s1 =	sld [smem:$0x3F9C];
	s0 =	simm.s32 @p0 $0x1  }
0x13: {  	[smem:$0x3FB7] =	sst s0;
	s0 =	simm.s32 @!p1 $0x0  }
0x14: {  	s2 =	sld [smem:$0x3F9B];
	s0 =	simm.s32 @p1 $0x1  }
0x15: {  	[smem:$0x3FB8] =	sst s0;
	s0 =	simm.s32 @!p2 $0x0  }
0x16: {  	s3 =	sld [smem:$0x3FDB];
	s0 =	simm.s32 @p2 $0x1  }
0x17: {  	s4 =	simm.s32 $0x1BF5;
	[smem:$0x3FBA] =	sst s0  }
0x18: {  	s0 =	sld [smem:$0x3F9D];
	_ =	swait.ge [sflag:s4], $0x0  }
0x19: {  	s7 =	sld [smem:$0x3F9E]  }
0x1a: {  	s8 =	sadd.s32 $0xFFFFE003, lr  }
0x1b: {  	s9 =	sadd.s32 $0xFFFFFEF7, lr;
	s5 =	simm.s32 $0xFFFFFFFF;
	p2 =	slt.u32 s8, $0xFFFFF086  }
0x1c: {  	p1 =	slt.u32 s9, $0xF7A;
	s5 =	simm.s32 @!p2 $0x0  }
0x1d: {  	s5 =	simm.s32 @p1 $0x1;
	p0 =	seq.s32 s7, s2  }
0x1e: {  	s7 =	smul.u32 @!p0 $0xF7A, s2;
	p2 =	seq.s32 @!p0 s5, $0x0  }
0x1f: {  	s9 =	smul.u32 $0xF7A, s1;
	s8 =	simm.s32 @!p0 $0x1BF5;
	p2 =	por !p2, p0  }
0x20: {  	[sflag:s8] =	ssyncset.s32 @!p0 $0xFFFFF086;
	s6 =	sadd.s32 @!p0 s3, s7;
	s7 =	simm.s32 @!p0 $0x108  }
0x21: {  	s3 =	sadd.s32 s3, s9;
	s6 =	sadd.s32 @!p0 $0x88, s6;
	s7 =	simm.s32 @p2 $0x1082  }
0x22: {  	[simem:s7], [sflag:s8] =	dma.local @!p0 [hbm:s6], $0xF7A  }
0x23: {  	s9 =	sor.u32 $0xD0000000, s2;
	s6 =	simm.s32 $0x108;
	_ =	swait.ge @!p0 [sflag:s8], $0x0  }
0x24: {  	s3 =	sadd.s32 $0x88, s3;
	s6 =	simm.s32 @!p1 $0x1082;
	[sflag:s4] =	ssyncset.s32 $0xFFFFF086  }
0x25: {  	[simem:s6], [sflag:s4] =	dma.local [hbm:s3], $0xF7A  }
0x26: {  	[smem:$0x3F9E] =	sst s1;
	(tag) =	ssettag s2;
	_ =	strace s9  }
0x27: {  	s1 =	sld [smem:$0x3FAE]  }
0x28: {  	s2 =	sld [smem:$0x3FAF]  }
0x29: {  	s4 =	sld [smem:$0x3FB1]  }
0x2a: {  	p0 =	seq.s32 s5, $0x0;
	s5 =	sld [smem:$0x3FB2]  }
0x2b: {  	s6 =	sld [smem:$0x3FB3]  }
0x2c: {  	s7 =	sld [smem:$0x3FB4]  }
0x2d: {  	s3 =	simm.s32 $0x108;
	s8 =	sld [smem:$0x3FB5]  }
0x2e: {  	s3 =	simm.s32 @!p0 $0x1082;
	s9 =	sld [smem:$0x3FB6]  }
0x2f: {  	lr =	sadd.s32 s0, s3;
	s0 =	sld [smem:$0x3FAD]  }
0x30: {  	s3 =	sld [smem:$0x3FB0]  }
0x31: {  	[smem:$0x3FB9] =	sst s10  }
0x32: {  	s10 =	sld [smem:$0x3FB7];
	_ =	sdelay $0x3  }
0x33: {  	p0 =	seq.s32 s10, $0x1;
	s10 =	sld [smem:$0x3FB9];
	_ =	sdelay $0x3  }
0x34: {  	[smem:$0x3FB9] =	sst s10  }
0x35: {  	s10 =	sld [smem:$0x3FB8];
	_ =	sdelay $0x3  }
0x36: {  	p1 =	seq.s32 s10, $0x1;
	s10 =	sld [smem:$0x3FB9];
	_ =	sdelay $0x3  }
0x37: {  	[smem:$0x3FB9] =	sst s10  }
0x38: {  	s10 =	sld [smem:$0x3FBA]  }
0x39: {  	_ = 	snop;
	(pc) =	sbr.ind lr, $3  }
0x3a: {  	_ = 	snop  }
0x3b: {  	_ = 	snop  }
0x3c: {  	p2 =	seq.s32 s10, $0x1;
	s10 =	sld [smem:$0x3FB9]  }
0x3d: {  	_ =	shalt  }
0x3e: {  	_ =	shalt  }
0x3f: {  	_ =	shalt  }
0x40: {  	_ =	shalt  }
0x41: {  	_ =	shalt  }
0x42: {  	_ =	shalt  }
0x43: {  	_ =	shalt  }
0x44: {  	_ =	shalt  }
0x45: {  	_ =	shalt  }
0x46: {  	_ =	shalt  }
0x47: {  	_ =	shalt  }
0x48: {  	_ =	shalt  }
0x49: {  	_ =	shalt  }
0x4a: {  	_ =	shalt  }
0x4b: {  	_ =	shalt  }
0x4c: {  	_ =	shalt  }
0x4d: {  	_ =	shalt  }
0x4e: {  	_ =	shalt  }
0x4f: {  	_ =	shalt  }
0x50: {  	_ =	shalt  }
0x51: {  	_ =	shalt  }
0x52: {  	_ =	shalt  }
0x53: {  	_ =	shalt  }
0x54: {  	_ =	shalt  }
0x55: {  	_ =	shalt  }
0x56: {  	_ =	shalt  }
0x57: {  	_ =	shalt  }
0x58: {  	_ =	shalt  }
0x59: {  	_ =	shalt  }
0x5a: {  	_ =	shalt  }
0x5b: {  	_ =	shalt  }
0x5c: {  	_ =	shalt  }
0x5d: {  	_ =	shalt  }
0x5e: {  	_ =	shalt  }
0x5f: {  	_ =	shalt  }
0x60: {  	_ =	shalt  }
0x61: {  	_ =	shalt  }
0x62: {  	_ =	shalt  }
0x63: {  	_ =	shalt  }
0x64: {  	_ =	shalt  }
0x65: {  	_ =	shalt  }
0x66: {  	_ =	shalt  }
0x67: {  	_ =	shalt  }
0x68: {  	_ =	shalt  }
0x69: {  	_ =	shalt  }
0x6a: {  	_ =	shalt  }
0x6b: {  	_ =	shalt  }
0x6c: {  	_ =	shalt  }
0x6d: {  	_ =	shalt  }
0x6e: {  	_ =	shalt  }
0x6f: {  	_ =	shalt  }
0x70: {  	_ =	shalt  }
0x71: {  	_ =	shalt  }
0x72: {  	_ =	shalt  }
0x73: {  	_ =	shalt  }
0x74: {  	_ =	shalt  }
0x75: {  	_ =	shalt  }
0x76: {  	_ =	shalt  }
0x77: {  	_ =	shalt  }
0x78: {  	_ =	shalt  }
0x79: {  	_ =	shalt  }
0x7a: {  	_ =	shalt  }
0x7b: {  	_ =	shalt  }
0x7c: {  	_ =	shalt  }
0x7d: {  	_ =	shalt  }
0x7e: {  	_ =	shalt  }
0x7f: {  	_ =	shalt  }
0x80: {  	_ =	shalt  }
0x81: {  	_ =	shalt  }
0x82: {  	_ =	shalt  }
0x83: {  	_ =	shalt  }
0x84: {  	_ =	shalt  }
0x85: {  	_ =	shalt  }
0x86: {  	_ =	shalt  }
0x87: {  	_ =	shalt  }
.Lfunc_end0:
.L_simem_size_0:
called_computation_lowered:
.L_overlay_start_0:
0x88: {  	s0 =	sld [smem:$0x3FD9]  }
0x89: {  	s1 =	sld [smem:$0x3FFE];
	_ =	sdelay $0x3  }
0x8a: {  	s0 =	sadd.s32 s1, s0  }
0x8b: {  	[smem:$0x3FC5] =	sst s0  }
0x8c: {  	_ = 	snop  }
0x8d: {  	s0 =	sld [smem:$0x3FC9]  }
0x8e: {  	s17 =	sld [smem:$0x3FC8]  }
0x8f: {  	s2 =	sld [smem:$0x3FC7]  }
0x90: {  	s3 =	sld [smem:$0x3FD0];
	(tm) =	ssettm $0x1  }
0x91: {  	s4 =	sld [smem:$0x3FFB];
	_ =	sdelay $0x3  }
0x92: {  	_ =	strace s4  }
0x93: {  	s4 =	sld [smem:$0x3FFC];
	_ =	sdelay $0x3  }
0x94: {  	_ =	strace s4  }
0x95: {  	s4 =	sld [smem:$0x3FFD];
	_ =	sdelay $0x3  }
0x96: {  	_ =	strace s4  }
0x97: {  	_ =	strace $0x8FFFFFFF  }
0x98: {  	s18 =	sld [smem:$0x3FDB];
	_ =	sdelay $0x1  }
0x99: {  	s5 =	simm.s32 $_scs_section_size  }
0x9a: {  	s6 =	simm.s32 $_size__tile_overlayer_lowered;
	s7 =	simm.s32 $_tile_overlayer_lowered  }
0x9b: {  	s21 =	simm.s32 $0x1BFF;
	s20 =	sshll.u32 s7, $0x1;
	s4 =	sadd.s32 s5, s18  }
0x9c: {  	s8 =	simm.s32 $0x0;
	s19 =	sshll.u32 s6, $0x1;
	s6 =	sadd.s32 s20, s4  }
0x9d: {  	[timem:s8], [sflag:s21] =	dma.local [hbm:s6], s19  }
0x9e: {  	_ =	swait.ge [sflag:s21], s19  }
0x9f: {  	s5 =	ssub.s32 $0x0, s19;
	[sflag:s21] =	ssyncset.done $0x0  }
0xa0: {  	[sflag:s21] =	ssyncadd.s32 s5;
	_ =	sdelay $0x1  }
0xa1: {  	s22 =	simm.s32 $0x1B8B  }
0xa2: {  	_ =	swait.ge [sflag:s22], $0x1  }
0xa3: {  	[sflag:s22] =	ssyncset.done $0x0  }
0xa4: {  	s23 =	simm.s32 $0x1B8E;
	[sflag:s22] =	ssyncadd.s32 $0xFFFFFFFF  }
0xa5: {  	s24 =	simm.s32 $execute0_lowered;
	[smem:$0x3FD2] =	sst s23  }
0xa6: {  	s5 =	sshll.u32 s24, $0x1;
	_ =	strace $0x80000046;
	[dreg:$0x1] =	wrdreg $0xFFFFFFFF  }
0xa7: {  	s25 =	simm.s32 $_size_execute0_lowered;
	s4 =	sadd.s32 s4, s5;
	[dreg:$0x0] =	wrdreg $0x0  }
0xa8: {  	s5 =	sshll.u32 s25, $0x1;
	[dreg:$0x2] =	wrdreg s4  }
0xa9: {  	[dreg:$0x3] =	wrdreg s5  }
0xaa: {  	[dreg:$0x4] =	wrdreg $0xC0  }
0xab: {  	_ =	task [dreg:s8], $0x5FFFF  }
0xac: {  	[dreg:$0x1] =	wrdreg $0xFFFFFFFF  }
0xad: {  	[dreg:$0x0] =	wrdreg $0x60  }
0xae: {  	[dreg:$0x2] =	wrdreg s0  }
0xaf: {  	[dreg:$0x3] =	wrdreg s17  }
0xb0: {  	[dreg:$0x4] =	wrdreg s2  }
0xb1: {  	[dreg:$0x5] =	wrdreg s3  }
0xb2: {  	[dreg:$0x6] =	wrdreg $0x9  }
0xb3: {  	_ =	task.clear_ibuf [dreg:s8], $0x7FFFF;
	_ =	strace $0x90000046  }
0xb4: {  	s26 =	simm.s32 $0x9;
	_ =	strace $0x80000048  }
0xb5: {  	_ =	swait.ge [sflag:s26], $0x1  }
0xb6: {  	[sflag:s26] =	ssyncadd.s32 $0xFFFFFFFF  }
0xb7: {  	_ =	strace $0x90000048  }
0xb8: {  	_ =	sfence  }
0xb9: {  	s28 =	sld [smem:$0x0];
	_ =	sdelay $0x1  }
0xba: {  	s29 =	srdreg.scid  }
0xbb: {  	s30 =	sshll.u32 s29, $0xD;
	s31 =	sshrl.u32 s29, $0x2  }
0xbc: {  	s1 =	sand.u32 $0x1, s29;
	s2 =	sand.u32 $0x4000, s30;
	s0 =	sadd.s32 s31, s28  }
0xbd: {  	s1 =	sor.u32 s2, s1;
	s0 =	sshll.u32 s0, $0x11  }
0xbe: {  	s0 =	sor.u32 s0, s1  }
0xbf: {  	s0 =	sadd.s32 $0x8F2B, s0  }
0xc0: {  	[sflag:s0] =	ssyncadd.remote.s32 $0x1  }
0xc1: {  	_ =	sfence.sel $0xFFFF  }
0xc2: {  	[dreg:$0x0] =	wrdreg $0xFFFFFFFF;
	(pc) =	sbr.abs _section_cstart, $3  }
0xc3: {  	[dreg:$0x1] =	wrdreg $0xFFFFFFFF  }
0xc4: {  	_ =	task.clear_ibuf [dreg:s8], $0x2FFFF;
	_ =	strace $0x9FFFFFFF  }
0xc5: {  	(tm) =	ssettm $0x7FFFFFFF  }
tec
execute0_lowered:
.L_overlay_start_1:
0x0: {  	(tag) =	ssettag $0x1  }
0x1: {  	s4 =	rddreg [dreg:$0x0]  }
0x2: {  	s3 =	rddreg [dreg:$0x1]  }
0x3: {  	s2 =	rddreg [dreg:$0x2]  }
0x4: {  	s1 =	rddreg [dreg:$0x3];
	s5 =	stileid.u32  }
0x5: {  	s0 =	rddreg [dreg:$0x4];
	_ =	strace $0x80000047;
	p0 =	sne.s32 s5, $0x0  }
0x6: {  	_ =	sfence.sel @p0 $0x180000  }
0x7: {  	[bflag:$0x0] =	sbarrier.arrive @p0 $0xFFFF  }
0x8: {  	_ =	strace @p0 $0x90000047  }
0x9: {  	[bflag:$0x2] =	sbarrier.arrive @p0 $0xFFFF  }
0xa: {  	_ =	shalt @p0  }
.LBB2_1:
0xb: {  	v0 =	vimm.s32 $0x2A01;
	vm0 =	vcmask $0x700;
	vm15 =	vcmask $0xB08  }
0xc: {  	vm1 =	vcmask $0xF0C;
	vm2 =	vcmask $0x1310;
	v0 =	vunpack.c.0.s8.s32 v0  }
0xd: {  	vm3 =	vcmask $0x1714;
	vm4 =	vcmask $0x1B18;
	vm5 =	vcmask $0x704  }
0xe: {  	v1 =	vimm.s32 $0x0;
	vm6 =	vcmask $0x1F1C;
	v0 =	vnsel vm0, $0x0, v0  }
0xf: {  	vm7 =	vcmask $0x300;
	vm8 =	vcmask $0x2320;
	v0 =	vsel vm15, $0x3039, v0  }
0x10: {  	vm12 =	vcmask $0x2724;
	v2 =	vsel vm5, $0x7B, v1;
	v0 =	vsel vm1, $0x1869F, v0  }
0x11: {  	vm13 =	vcmask $0x2B28;
	v2 =	vsel vm15, $0x7A69, v2;
	v0 =	vsel vm2, $0x51615, v0  }
0x12: {  	v1 =	vsel vm7, $0x7, v1;
	v2 =	vsel vm1, $0x3640E, v2;
	v0 =	vsel vm3, $0x67932, v0  }
0x13: {  	v1 =	vsel vm5, $0xD903, v1;
	v2 =	vsel vm2, $0x4C72B, v2;
	v0 =	vsel vm4, $0x7A120, v0  }
0x14: {  	v1 =	vsel vm15, $0x1B207, v1;
	v2 =	vsel vm3, $0x6C81C, v2;
	v0 =	vsel vm6, $0x9FBF1, v0  }
0x15: {  	v1 =	vsel vm1, $0x1E240, v1;
	v2 =	vsel vm4, $0xA2C2A, v2;
	v0 =	vsel vm8, $0xBDE31, v0  }
0x16: {  	v1 =	vsel vm2, $0x31524, v1;
	v2 =	vsel vm6, $0xB71B0, v2;
	v0 =	vsel vm12, $0xD5FFF, v0  }
0x17: {  	v1 =	vsel vm3, $0x3D090, v1;
	v2 =	vsel vm8, $0xC7C05, v2;
	v0 =	vsel vm13, $0xDDF22, v0  }
0x18: {  	v1 =	vsel vm4, $0x5464E, v1;
	v2 =	vsel vm12, $0xF1206, v2  }
0x19: {  	v1 =	vsel vm6, $0x87A23, v1;
	v2 =	vsel vm13, $0xF423E, v2  }
0x1a: {  	v1 =	vsel vm8, $0xD9038, v1  }
0x1b: {  	vm14 =	vmmov $0xffff;
	s5 =	simm.s32 $0x0;
	v1 =	vsel vm12, $0xF423F, v1  }
0x1c: {  	[tilespmem:s5], [sflag:$0x1] =	stream.indirect_vreg.gather [hbm4b:s4+s5], $0x1, v0, vm14, $0xb8;
	[tilespmem:$0x50] =	vst v63  }
0x1d: {  	s26 =	simm.s32 $0x10  }
0x1e: {  	[tilespmem:s26], [sflag:$0x1] =	stream.indirect_vreg.gather [hbm4b:s3+s5], $0x1, v2, vm14, $0xb8;
	[tilespmem:$0x50] =	vst v63  }
0x1f: {  	s28 =	simm.s32 $0x20;
	v56 =	vimm.s32 $0x28130723;
	s29 =	simm.s32 $0x1;
	v3 =	vimm.s32 $0x10081229  }
0x20: {  	v57 =	vimm.s32 $0x3211504;
	v58 =	vimm.s32 $0x1271902;
	v3 =	vunpack.c.0.s8.s32 v3;
	[tilespmem:s28], [sflag:$0x1] =	stream.indirect_vreg.gather [hbm4b:s2+s5], $0x1, v1, vm14, $0xb8;
	[tilespmem:$0x50] =	vst v63  }
0x21: {  	v0 =	vunpack.c.0.s8.s32 v56;
	v2 =	vunpack.c.0.s8.s32 v58;
	v1 =	vunpack.c.0.s8.s32 v57;
	_ =	swait.ge [sflag:s29], $0x10  }
0x22: {  	vm15 =	vcmask $0x1F10;
	[sflag:s29] =	ssyncset.done $0x0  }
0x23: {  	v59 =	vsel vm15, v3, v2;
	v0 =	vsel vm15, v1, v0;
	[sflag:s29] =	ssyncadd.s32 $0xFFFFFFF0  }
0x24: {  	v0 =	vcombine.low v59, v0;
	_ =	swait.ge [sflag:s29], $0x10  }
0x25: {  	v60 =	vimm.s32 $0x5251700;
	v4 =	vimm.s32 $0x221A0926;
	[sflag:s29] =	ssyncset.done $0x0  }
0x26: {  	v61 =	vimm.s32 $0x180A2414;
	v62 =	vimm.s32 $0x11062016;
	v4 =	vunpack.c.0.s8.s32 v4;
	[sflag:s29] =	ssyncadd.s32 $0xFFFFFFF0  }
0x27: {  	v2 =	vunpack.c.0.s8.s32 v61;
	v3 =	vunpack.c.0.s8.s32 v62;
	v1 =	vunpack.c.0.s8.s32 v60;
	_ =	swait.ge [sflag:s29], $0x10  }
0x28: {  	[sflag:s29] =	ssyncset.done $0x0  }
0x29: {  	v63 =	vsel vm15, v4, v3;
	v1 =	vsel vm15, v2, v1;
	[sflag:s29] =	ssyncadd.s32 $0xFFFFFFF0  }
0x2a: {  	v1 =	vcombine.low v63, v1;
	v0 =	vld.idx.msk [tilespmem:v0+s5+$0x0], $0xffff;
	_ =	sdelay $0x4  }
0x2b: {  	[tilespmem:$0x30] =	vst v0  }
0x2c: {  	v0 =	vld.idx.msk [tilespmem:v1+s5+$0x0], $0xffff;
	_ =	sdelay $0x4  }
0x2d: {  	s30 =	simm.s32 $0x30;
	s31 =	simm.s32 $0x2;
	[tilespmem:$0x40] =	vst v0  }
0x2e: {  	[hbm4b:s1+s5] =	stream.linear.scatter [tilespmem:s30], [sflag:$0x2], $0x20, $0x38;
	[tilespmem:$0x50] =	vst v63  }
0x2f: {  	_ =	swait.ge [sflag:s31], $0x20  }
0x30: {  	[sflag:s31] =	ssyncset.done $0x0  }
0x31: {  	[sflag:s31] =	ssyncadd.s32 $0xFFFFFFE0  }
0x32: {  	_ =	sfence.sel $0x180000  }
0x33: {  	[bflag:$0x0] =	sbarrier.arrive $0xFFFF  }
0x34: {  	_ =	strace $0x90000047  }
0x35: {  	s0 =	sadd.s32 $0x100000, s0;
	[bflag:$0x2] =	sbarrier.arrive $0xFFFF  }
0x36: {  	[sflag:s0] =	ssyncadd.tile.s32 $0x1;
	_ =	shalt  }
.Lfunc_end2:
_tile_overlayer_lowered:
.L_overlay_start_2:
0x37: {  	(tag) =	ssettag $0x2  }
0x38: {  	s0 =	rddreg [dreg:$0x0];
	s2 =	stileid.u32  }
0x39: {  	s1 =	rddreg [dreg:$0x1];
	p0 =	sne.s32 s2, $0x0  }
0x3a: {  	s3 =	rddreg [dreg:$0x2];
	[bflag:$0x3] =	sbarrier.arrive $0xFFFF;
	s2 =	simm.s32 @!p0 $0x1C02  }
0x3b: {  	[timem:s3], [sflag:s2] =	dma.local @!p0 [hbm:s0], s1  }
0x3c: {  	s0 =	simm.s32 @!p0 $0x2  }
0x3d: {  	_ =	swait.ge @!p0 [sflag:s0], s1  }
0x3e: {  	s1 =	ssub.s32 @!p0 $0x0, s1;
	[sflag:s0] =	ssyncset.done @!p0 $0x0  }
0x3f: {  	[sflag:s0] =	ssyncadd.s32 @!p0 s1  }
0x40: {  	[bflag:$0x3] =	sbarrier.arrive $0xFFFF  }
0x41: {  	_ =	shalt  }

</sc_bundles>
